<compile_context>
chip_gen: v7x
topology: tpu7x:2x2x1
jax: 0.10.2.dev20260603
libtpu: 0.0.44.dev20260713+nightly
codegen_flags: <defaults>
</compile_context>

<pallas_src>
import functools

import jax
import jax.numpy as jnp
from jax import lax
from jax.experimental import pallas as pl
from jax.experimental.pallas import tpu as pltpu
from jax.experimental.pallas import tpu_sc as plsc

_NUM_CORES = 2
_NUM_SUBCORES = 16
_NUM_WORKERS = _NUM_CORES * _NUM_SUBCORES
_MAX_CHUNK = 64
_NBUF = 1
_PRIME = 1


def _chunk_sizes(total):
    sizes = []
    left = total
    while left > 0:
        take = min(_MAX_CHUNK, left)
        sizes.append(take)
        left -= take
    return sizes


@functools.lru_cache(maxsize=None)
def _build_copy_kernel(B, L, D, dtype):
    rows_per_w = L // _NUM_WORKERS
    sizes = _chunk_sizes(rows_per_w)
    offs = [sum(sizes[:i]) for i in range(len(sizes))]
    n_chunks = len(sizes)
    mesh = plsc.VectorSubcoreMesh(core_axis_name="c", subcore_axis_name="s")

    @functools.partial(
        pl.kernel,
        mesh=mesh,
        out_type=jax.ShapeDtypeStruct((B * L, D), dtype),
        scratch_types=[
            pltpu.VMEM((_NBUF, _MAX_CHUNK, D), dtype),
            pltpu.SemaphoreType.DMA,
            pltpu.SemaphoreType.DMA,
        ],
    )
    def copy_kernel(w_hbm, out_hbm, buf, in_sem, out_sem):
        wid = lax.axis_index("s") * _NUM_CORES + lax.axis_index("c")
        base = wid * rows_per_w

        def start_read(c):
            return pltpu.async_copy(
                w_hbm.at[pl.ds(base + offs[c], sizes[c])],
                buf.at[c % _NBUF, pl.ds(0, sizes[c])],
                in_sem,
            )

        def start_writes(c):
            return [
                pltpu.async_copy(
                    buf.at[c % _NBUF, pl.ds(0, sizes[c])],
                    out_hbm.at[pl.ds(((b + wid) % B) * L + base + offs[c],
                                     sizes[c])],
                    out_sem,
                )
                for b in range(B)
            ]

        prime = min(_PRIME, n_chunks)
        reads = {c: start_read(c) for c in range(prime)}
        pending_writes = {}
        for c in range(n_chunks):
            reads.pop(c).wait()
            pending_writes[c] = start_writes(c)
            nxt = c + prime
            if nxt < n_chunks:
                old = nxt - _NBUF
                if old in pending_writes:
                    for w in pending_writes.pop(old):
                        w.wait()
                reads[nxt] = start_read(nxt)
        for group in pending_writes.values():
            for w in group:
                w.wait()

    return copy_kernel


def kernel(x, W):
    B, L, D = x.shape
    out_flat = _build_copy_kernel(B, L, D, W.dtype)(W[:L])
    return out_flat.reshape(B, L, D)

# --- scband reference (transcript-rebuilt; emitter-appended) ---
"""Pipeline reference for scband-positional-encoding-79517024518412 (READ-ONLY COPY).

The authoritative reference and input builder live on the scoring server;
editing this copy changes nothing except your own understanding.
"""

import jax, jax.numpy as jnp
import numpy as np

D_MODEL = 1024
MAX_LEN = 4096
BATCH = 4
SEQ_LEN = 4096


def setup_inputs(seed: int = 0) -> dict:
    key = jax.random.key(seed)
    k_x, k_w = jax.random.split(key)
    x = jax.random.normal(k_x, (BATCH, SEQ_LEN, D_MODEL), dtype=jnp.float32)
    # learned positional embedding table (nn.Embedding weight)
    W = jax.random.normal(k_w, (MAX_LEN, D_MODEL), dtype=jnp.float32)
    return {"x": x, "W": W}


def reference(x, W):
    # length = x.size(1)
    length = x.shape[1]
    positions = jnp.arange(length, dtype=jnp.int32)[None, :]
    positions = jnp.broadcast_to(positions, (x.shape[0], length))
    # embedding lookup: encoding(positions)
    out = jnp.take(W, positions, axis=0)
    return out

if __name__ == "__main__":
    import jax
    _d = setup_inputs()
    print(jax.jit(kernel)(*tuple(_d.values())))

</pallas_src>

<mosaic_0001>
#map = affine_map<(d0, d1) -> (0, 0)>
module attributes {stable_mosaic.version = 14 : i64} {
  func.func @copy_kernel(%arg0: i32, %arg1: i32, %arg2: memref<4096x1024xf32, #tpu.memory_space<hbm>>, %arg3: memref<16384x1024xf32, #tpu.memory_space<hbm>>, %arg4: memref<1x64x1024xf32, #tpu.memory_space<vmem>>, %arg5: memref<!tpu.dma_semaphore, #tpu.memory_space<semaphore_mem>>, %arg6: memref<!tpu.dma_semaphore, #tpu.memory_space<semaphore_mem>>) attributes {dimension_semantics = [#tpu.dimension_semantics<core_parallel>, #tpu.dimension_semantics<subcore_parallel>], iteration_bounds = array<i64: 2, 16>, scalar_prefetch = 0 : i64, scratch_operands = 3 : i64, tpu.core_type = #tpu.core_type<sc_vector_subcore>, window_params = [{transform_indices = #map}, {transform_indices = #map}]} {
    %mul3A = arith.constant 2 : i32
    %mul3A_0 = arith.muli %arg1, %mul3A : i32
    %add3A = arith.addi %mul3A_0, %arg0 : i32
    %mul3A_1 = arith.constant 128 : i32
    %mul3A_2 = arith.muli %add3A, %mul3A_1 : i32
    %add3A_3 = arith.constant 0 : i32
    %add3A_4 = arith.addi %mul3A_2, %add3A_3 : i32
    %dma_start3A = arith.constant 0 : i32
    %dma_start3A_5 = arith.constant 0 : i32
    %dma_start3A_6 = arith.constant 0 : i32
    %dma_start3A_7 = tpu.memref_slice %arg4[%dma_start3A, %dma_start3A_5, %dma_start3A_6] : memref<1x64x1024xf32, #tpu.memory_space<vmem>> -> memref<1x64x1024xf32, #tpu.memory_space<vmem>>
    %dma_start3A_8 = tpu.memref_squeeze %dma_start3A_7 : memref<1x64x1024xf32, #tpu.memory_space<vmem>> -> memref<64x1024xf32, #tpu.memory_space<vmem>>
    %dma_start3A_9 = arith.constant 0 : i32
    %dma_start3A_10 = tpu.memref_slice %arg2[%add3A_4, %dma_start3A_9] : memref<4096x1024xf32, #tpu.memory_space<hbm>> -> memref<64x1024xf32, #tpu.memory_space<hbm>>
    %dma_start3A_11 = arith.constant 0 : i32
    %dma_start3A_12 = arith.constant 0 : i32
    %dma_start3A_13 = tpu.memref_slice %arg4[%dma_start3A, %dma_start3A_11, %dma_start3A_12] : memref<1x64x1024xf32, #tpu.memory_space<vmem>> -> memref<1x64x1024xf32, #tpu.memory_space<vmem>>
    %dma_start3A_14 = tpu.memref_squeeze %dma_start3A_13 : memref<1x64x1024xf32, #tpu.memory_space<vmem>> -> memref<64x1024xf32, #tpu.memory_space<vmem>>
    %dma_start3A_15 = arith.constant 0 : i32
    %dma_start3A_16 = tpu.memref_slice %arg2[%add3A_4, %dma_start3A_15] : memref<4096x1024xf32, #tpu.memory_space<hbm>> -> memref<64x1024xf32, #tpu.memory_space<hbm>>
    tpu.enqueue_dma source(%dma_start3A_16 : memref<64x1024xf32, #tpu.memory_space<hbm>>) target(%dma_start3A_14 : memref<64x1024xf32, #tpu.memory_space<vmem>>) target_semaphore(%arg5 : memref<!tpu.dma_semaphore, #tpu.memory_space<semaphore_mem>>)
    %dma_wait3A = arith.constant 0 : i32
    %dma_wait3A_17 = arith.constant 0 : i32
    %dma_wait3A_18 = arith.constant 0 : i32
    %dma_wait3A_19 = tpu.memref_slice %arg4[%dma_wait3A, %dma_wait3A_17, %dma_wait3A_18] : memref<1x64x1024xf32, #tpu.memory_space<vmem>> -> memref<1x64x1024xf32, #tpu.memory_space<vmem>>
    %dma_wait3A_20 = tpu.memref_squeeze %dma_wait3A_19 : memref<1x64x1024xf32, #tpu.memory_space<vmem>> -> memref<64x1024xf32, #tpu.memory_space<vmem>>
    %dma_wait3A_21 = arith.constant 0 : i32
    %dma_wait3A_22 = tpu.memref_slice %arg2[%add3A_4, %dma_wait3A_21] : memref<4096x1024xf32, #tpu.memory_space<hbm>> -> memref<64x1024xf32, #tpu.memory_space<hbm>>
    %dma_wait3A_23 = arith.constant 0 : i32
    %dma_wait3A_24 = arith.constant 0 : i32
    %dma_wait3A_25 = tpu.memref_slice %arg4[%dma_wait3A, %dma_wait3A_23, %dma_wait3A_24] : memref<1x64x1024xf32, #tpu.memory_space<vmem>> -> memref<1x64x1024xf32, #tpu.memory_space<vmem>>
    %dma_wait3A_26 = tpu.memref_squeeze %dma_wait3A_25 : memref<1x64x1024xf32, #tpu.memory_space<vmem>> -> memref<64x1024xf32, #tpu.memory_space<vmem>>
    %dma_wait3A_27 = arith.constant 0 : i32
    %dma_wait3A_28 = tpu.memref_slice %arg2[%add3A_4, %dma_wait3A_27] : memref<4096x1024xf32, #tpu.memory_space<hbm>> -> memref<64x1024xf32, #tpu.memory_space<hbm>>
    tpu.wait_dma2 semaphore(%arg5 : memref<!tpu.dma_semaphore, #tpu.memory_space<semaphore_mem>>) src(%dma_wait3A_28 : memref<64x1024xf32, #tpu.memory_space<hbm>>) dst(%dma_wait3A_26 : memref<64x1024xf32, #tpu.memory_space<vmem>>)
    %add3A_29 = arith.constant 0 : i32
    %add3A_30 = arith.addi %add3A_29, %add3A : i32
    %jit3A = arith.constant 4 : i32
    %eq3A = arith.constant 0 : i32
    %eq3A_31 = arith.cmpi eq, %jit3A, %eq3A : i32
    %jit3A_32 = arith.constant 1 : i32
    %select_n3A = arith.select %eq3A_31, %jit3A_32, %jit3A : i32
    %rem3A = arith.remsi %add3A_30, %select_n3A : i32
    %ne3A = arith.constant 0 : i32
    %ne3A_33 = arith.cmpi ne, %rem3A, %ne3A : i32
    %lt3A = arith.constant 0 : i32
    %lt3A_34 = arith.cmpi slt, %rem3A, %lt3A : i32
    %lt3A_35 = arith.constant 0 : i32
    %lt3A_36 = arith.cmpi slt, %select_n3A, %lt3A_35 : i32
    %ne3A_37 = arith.xori %lt3A_34, %lt3A_36 : i1
    %and3A = arith.andi %ne3A_37, %ne3A_33 : i1
    %add3A_38 = arith.addi %rem3A, %select_n3A : i32
    %select_n3A_39 = arith.select %and3A, %add3A_38, %rem3A : i32
    %mul3A_40 = arith.constant 4096 : i32
    %mul3A_41 = arith.muli %select_n3A_39, %mul3A_40 : i32
    %add3A_42 = arith.addi %mul3A_41, %mul3A_2 : i32
    %add3A_43 = arith.constant 0 : i32
    %add3A_44 = arith.addi %add3A_42, %add3A_43 : i32
    %dma_start3A_45 = arith.constant 0 : i32
    %dma_start3A_46 = arith.constant 0 : i32
    %dma_start3A_47 = arith.constant 0 : i32
    %dma_start3A_48 = tpu.memref_slice %arg4[%dma_start3A_45, %dma_start3A_46, %dma_start3A_47] : memref<1x64x1024xf32, #tpu.memory_space<vmem>> -> memref<1x64x1024xf32, #tpu.memory_space<vmem>>
    %dma_start3A_49 = tpu.memref_squeeze %dma_start3A_48 : memref<1x64x1024xf32, #tpu.memory_space<vmem>> -> memref<64x1024xf32, #tpu.memory_space<vmem>>
    %dma_start3A_50 = arith.constant 0 : i32
    %dma_start3A_51 = tpu.memref_slice %arg3[%add3A_44, %dma_start3A_50] : memref<16384x1024xf32, #tpu.memory_space<hbm>> -> memref<64x1024xf32, #tpu.memory_space<hbm>>
    %dma_start3A_52 = arith.constant 0 : i32
    %dma_start3A_53 = tpu.memref_slice %arg3[%add3A_44, %dma_start3A_52] : memref<16384x1024xf32, #tpu.memory_space<hbm>> -> memref<64x1024xf32, #tpu.memory_space<hbm>>
    %dma_start3A_54 = arith.constant 0 : i32
    %dma_start3A_55 = arith.constant 0 : i32
    %dma_start3A_56 = tpu.memref_slice %arg4[%dma_start3A_45, %dma_start3A_54, %dma_start3A_55] : memref<1x64x1024xf32, #tpu.memory_space<vmem>> -> memref<1x64x1024xf32, #tpu.memory_space<vmem>>
    %dma_start3A_57 = tpu.memref_squeeze %dma_start3A_56 : memref<1x64x1024xf32, #tpu.memory_space<vmem>> -> memref<64x1024xf32, #tpu.memory_space<vmem>>
    tpu.enqueue_dma source(%dma_start3A_57 : memref<64x1024xf32, #tpu.memory_space<vmem>>) target(%dma_start3A_53 : memref<64x1024xf32, #tpu.memory_space<hbm>>) target_semaphore(%arg6 : memref<!tpu.dma_semaphore, #tpu.memory_space<semaphore_mem>>)
    %add3A_58 = arith.constant 1 : i32
    %add3A_59 = arith.addi %add3A_58, %add3A : i32
    %jit3A_60 = arith.constant 4 : i32
    %eq3A_61 = arith.constant 0 : i32
    %eq3A_62 = arith.cmpi eq, %jit3A_60, %eq3A_61 : i32
    %jit3A_63 = arith.constant 1 : i32
    %select_n3A_64 = arith.select %eq3A_62, %jit3A_63, %jit3A_60 : i32
    %rem3A_65 = arith.remsi %add3A_59, %select_n3A_64 : i32
    %ne3A_66 = arith.constant 0 : i32
    %ne3A_67 = arith.cmpi ne, %rem3A_65, %ne3A_66 : i32
    %lt3A_68 = arith.constant 0 : i32
    %lt3A_69 = arith.cmpi slt, %rem3A_65, %lt3A_68 : i32
    %lt3A_70 = arith.constant 0 : i32
    %lt3A_71 = arith.cmpi slt, %select_n3A_64, %lt3A_70 : i32
    %ne3A_72 = arith.xori %lt3A_69, %lt3A_71 : i1
    %and3A_73 = arith.andi %ne3A_72, %ne3A_67 : i1
    %add3A_74 = arith.addi %rem3A_65, %select_n3A_64 : i32
    %select_n3A_75 = arith.select %and3A_73, %add3A_74, %rem3A_65 : i32
    %mul3A_76 = arith.constant 4096 : i32
    %mul3A_77 = arith.muli %select_n3A_75, %mul3A_76 : i32
    %add3A_78 = arith.addi %mul3A_77, %mul3A_2 : i32
    %add3A_79 = arith.constant 0 : i32
    %add3A_80 = arith.addi %add3A_78, %add3A_79 : i32
    %dma_start3A_81 = arith.constant 0 : i32
    %dma_start3A_82 = arith.constant 0 : i32
    %dma_start3A_83 = arith.constant 0 : i32
    %dma_start3A_84 = tpu.memref_slice %arg4[%dma_start3A_81, %dma_start3A_82, %dma_start3A_83] : memref<1x64x1024xf32, #tpu.memory_space<vmem>> -> memref<1x64x1024xf32, #tpu.memory_space<vmem>>
    %dma_start3A_85 = tpu.memref_squeeze %dma_start3A_84 : memref<1x64x1024xf32, #tpu.memory_space<vmem>> -> memref<64x1024xf32, #tpu.memory_space<vmem>>
    %dma_start3A_86 = arith.constant 0 : i32
    %dma_start3A_87 = tpu.memref_slice %arg3[%add3A_80, %dma_start3A_86] : memref<16384x1024xf32, #tpu.memory_space<hbm>> -> memref<64x1024xf32, #tpu.memory_space<hbm>>
    %dma_start3A_88 = arith.constant 0 : i32
    %dma_start3A_89 = tpu.memref_slice %arg3[%add3A_80, %dma_start3A_88] : memref<16384x1024xf32, #tpu.memory_space<hbm>> -> memref<64x1024xf32, #tpu.memory_space<hbm>>
    %dma_start3A_90 = arith.constant 0 : i32
    %dma_start3A_91 = arith.constant 0 : i32
    %dma_start3A_92 = tpu.memref_slice %arg4[%dma_start3A_81, %dma_start3A_90, %dma_start3A_91] : memref<1x64x1024xf32, #tpu.memory_space<vmem>> -> memref<1x64x1024xf32, #tpu.memory_space<vmem>>
    %dma_start3A_93 = tpu.memref_squeeze %dma_start3A_92 : memref<1x64x1024xf32, #tpu.memory_space<vmem>> -> memref<64x1024xf32, #tpu.memory_space<vmem>>
    tpu.enqueue_dma source(%dma_start3A_93 : memref<64x1024xf32, #tpu.memory_space<vmem>>) target(%dma_start3A_89 : memref<64x1024xf32, #tpu.memory_space<hbm>>) target_semaphore(%arg6 : memref<!tpu.dma_semaphore, #tpu.memory_space<semaphore_mem>>)
    %add3A_94 = arith.constant 2 : i32
    %add3A_95 = arith.addi %add3A_94, %add3A : i32
    %jit3A_96 = arith.constant 4 : i32
    %eq3A_97 = arith.constant 0 : i32
    %eq3A_98 = arith.cmpi eq, %jit3A_96, %eq3A_97 : i32
    %jit3A_99 = arith.constant 1 : i32
    %select_n3A_100 = arith.select %eq3A_98, %jit3A_99, %jit3A_96 : i32
    %rem3A_101 = arith.remsi %add3A_95, %select_n3A_100 : i32
    %ne3A_102 = arith.constant 0 : i32
    %ne3A_103 = arith.cmpi ne, %rem3A_101, %ne3A_102 : i32
    %lt3A_104 = arith.constant 0 : i32
    %lt3A_105 = arith.cmpi slt, %rem3A_101, %lt3A_104 : i32
    %lt3A_106 = arith.constant 0 : i32
    %lt3A_107 = arith.cmpi slt, %select_n3A_100, %lt3A_106 : i32
    %ne3A_108 = arith.xori %lt3A_105, %lt3A_107 : i1
    %and3A_109 = arith.andi %ne3A_108, %ne3A_103 : i1
    %add3A_110 = arith.addi %rem3A_101, %select_n3A_100 : i32
    %select_n3A_111 = arith.select %and3A_109, %add3A_110, %rem3A_101 : i32
    %mul3A_112 = arith.constant 4096 : i32
    %mul3A_113 = arith.muli %select_n3A_111, %mul3A_112 : i32
    %add3A_114 = arith.addi %mul3A_113, %mul3A_2 : i32
    %add3A_115 = arith.constant 0 : i32
    %add3A_116 = arith.addi %add3A_114, %add3A_115 : i32
    %dma_start3A_117 = arith.constant 0 : i32
    %dma_start3A_118 = arith.constant 0 : i32
    %dma_start3A_119 = arith.constant 0 : i32
    %dma_start3A_120 = tpu.memref_slice %arg4[%dma_start3A_117, %dma_start3A_118, %dma_start3A_119] : memref<1x64x1024xf32, #tpu.memory_space<vmem>> -> memref<1x64x1024xf32, #tpu.memory_space<vmem>>
    %dma_start3A_121 = tpu.memref_squeeze %dma_start3A_120 : memref<1x64x1024xf32, #tpu.memory_space<vmem>> -> memref<64x1024xf32, #tpu.memory_space<vmem>>
    %dma_start3A_122 = arith.constant 0 : i32
    %dma_start3A_123 = tpu.memref_slice %arg3[%add3A_116, %dma_start3A_122] : memref<16384x1024xf32, #tpu.memory_space<hbm>> -> memref<64x1024xf32, #tpu.memory_space<hbm>>
    %dma_start3A_124 = arith.constant 0 : i32
    %dma_start3A_125 = tpu.memref_slice %arg3[%add3A_116, %dma_start3A_124] : memref<16384x1024xf32, #tpu.memory_space<hbm>> -> memref<64x1024xf32, #tpu.memory_space<hbm>>
    %dma_start3A_126 = arith.constant 0 : i32
    %dma_start3A_127 = arith.constant 0 : i32
    %dma_start3A_128 = tpu.memref_slice %arg4[%dma_start3A_117, %dma_start3A_126, %dma_start3A_127] : memref<1x64x1024xf32, #tpu.memory_space<vmem>> -> memref<1x64x1024xf32, #tpu.memory_space<vmem>>
    %dma_start3A_129 = tpu.memref_squeeze %dma_start3A_128 : memref<1x64x1024xf32, #tpu.memory_space<vmem>> -> memref<64x1024xf32, #tpu.memory_space<vmem>>
    tpu.enqueue_dma source(%dma_start3A_129 : memref<64x1024xf32, #tpu.memory_space<vmem>>) target(%dma_start3A_125 : memref<64x1024xf32, #tpu.memory_space<hbm>>) target_semaphore(%arg6 : memref<!tpu.dma_semaphore, #tpu.memory_space<semaphore_mem>>)
    %add3A_130 = arith.constant 3 : i32
    %add3A_131 = arith.addi %add3A_130, %add3A : i32
    %jit3A_132 = arith.constant 4 : i32
    %eq3A_133 = arith.constant 0 : i32
    %eq3A_134 = arith.cmpi eq, %jit3A_132, %eq3A_133 : i32
    %jit3A_135 = arith.constant 1 : i32
    %select_n3A_136 = arith.select %eq3A_134, %jit3A_135, %jit3A_132 : i32
    %rem3A_137 = arith.remsi %add3A_131, %select_n3A_136 : i32
    %ne3A_138 = arith.constant 0 : i32
    %ne3A_139 = arith.cmpi ne, %rem3A_137, %ne3A_138 : i32
    %lt3A_140 = arith.constant 0 : i32
    %lt3A_141 = arith.cmpi slt, %rem3A_137, %lt3A_140 : i32
    %lt3A_142 = arith.constant 0 : i32
    %lt3A_143 = arith.cmpi slt, %select_n3A_136, %lt3A_142 : i32
    %ne3A_144 = arith.xori %lt3A_141, %lt3A_143 : i1
    %and3A_145 = arith.andi %ne3A_144, %ne3A_139 : i1
    %add3A_146 = arith.addi %rem3A_137, %select_n3A_136 : i32
    %select_n3A_147 = arith.select %and3A_145, %add3A_146, %rem3A_137 : i32
    %mul3A_148 = arith.constant 4096 : i32
    %mul3A_149 = arith.muli %select_n3A_147, %mul3A_148 : i32
    %add3A_150 = arith.addi %mul3A_149, %mul3A_2 : i32
    %add3A_151 = arith.constant 0 : i32
    %add3A_152 = arith.addi %add3A_150, %add3A_151 : i32
    %dma_start3A_153 = arith.constant 0 : i32
    %dma_start3A_154 = arith.constant 0 : i32
    %dma_start3A_155 = arith.constant 0 : i32
    %dma_start3A_156 = tpu.memref_slice %arg4[%dma_start3A_153, %dma_start3A_154, %dma_start3A_155] : memref<1x64x1024xf32, #tpu.memory_space<vmem>> -> memref<1x64x1024xf32, #tpu.memory_space<vmem>>
    %dma_start3A_157 = tpu.memref_squeeze %dma_start3A_156 : memref<1x64x1024xf32, #tpu.memory_space<vmem>> -> memref<64x1024xf32, #tpu.memory_space<vmem>>
    %dma_start3A_158 = arith.constant 0 : i32
    %dma_start3A_159 = tpu.memref_slice %arg3[%add3A_152, %dma_start3A_158] : memref<16384x1024xf32, #tpu.memory_space<hbm>> -> memref<64x1024xf32, #tpu.memory_space<hbm>>
    %dma_start3A_160 = arith.constant 0 : i32
    %dma_start3A_161 = tpu.memref_slice %arg3[%add3A_152, %dma_start3A_160] : memref<16384x1024xf32, #tpu.memory_space<hbm>> -> memref<64x1024xf32, #tpu.memory_space<hbm>>
    %dma_start3A_162 = arith.constant 0 : i32
    %dma_start3A_163 = arith.constant 0 : i32
    %dma_start3A_164 = tpu.memref_slice %arg4[%dma_start3A_153, %dma_start3A_162, %dma_start3A_163] : memref<1x64x1024xf32, #tpu.memory_space<vmem>> -> memref<1x64x1024xf32, #tpu.memory_space<vmem>>
    %dma_start3A_165 = tpu.memref_squeeze %dma_start3A_164 : memref<1x64x1024xf32, #tpu.memory_space<vmem>> -> memref<64x1024xf32, #tpu.memory_space<vmem>>
    tpu.enqueue_dma source(%dma_start3A_165 : memref<64x1024xf32, #tpu.memory_space<vmem>>) target(%dma_start3A_161 : memref<64x1024xf32, #tpu.memory_space<hbm>>) target_semaphore(%arg6 : memref<!tpu.dma_semaphore, #tpu.memory_space<semaphore_mem>>)
    %dma_wait3A_166 = arith.constant 0 : i32
    %dma_wait3A_167 = arith.constant 0 : i32
    %dma_wait3A_168 = arith.constant 0 : i32
    %dma_wait3A_169 = tpu.memref_slice %arg4[%dma_wait3A_166, %dma_wait3A_167, %dma_wait3A_168] : memref<1x64x1024xf32, #tpu.memory_space<vmem>> -> memref<1x64x1024xf32, #tpu.memory_space<vmem>>
    %dma_wait3A_170 = tpu.memref_squeeze %dma_wait3A_169 : memref<1x64x1024xf32, #tpu.memory_space<vmem>> -> memref<64x1024xf32, #tpu.memory_space<vmem>>
    %dma_wait3A_171 = arith.constant 0 : i32
    %dma_wait3A_172 = tpu.memref_slice %arg3[%add3A_44, %dma_wait3A_171] : memref<16384x1024xf32, #tpu.memory_space<hbm>> -> memref<64x1024xf32, #tpu.memory_space<hbm>>
    %dma_wait3A_173 = arith.constant 0 : i32
    %dma_wait3A_174 = tpu.memref_slice %arg3[%add3A_44, %dma_wait3A_173] : memref<16384x1024xf32, #tpu.memory_space<hbm>> -> memref<64x1024xf32, #tpu.memory_space<hbm>>
    %dma_wait3A_175 = arith.constant 0 : i32
    %dma_wait3A_176 = arith.constant 0 : i32
    %dma_wait3A_177 = tpu.memref_slice %arg4[%dma_wait3A_166, %dma_wait3A_175, %dma_wait3A_176] : memref<1x64x1024xf32, #tpu.memory_space<vmem>> -> memref<1x64x1024xf32, #tpu.memory_space<vmem>>
    %dma_wait3A_178 = tpu.memref_squeeze %dma_wait3A_177 : memref<1x64x1024xf32, #tpu.memory_space<vmem>> -> memref<64x1024xf32, #tpu.memory_space<vmem>>
    tpu.wait_dma2 semaphore(%arg6 : memref<!tpu.dma_semaphore, #tpu.memory_space<semaphore_mem>>) src(%dma_wait3A_178 : memref<64x1024xf32, #tpu.memory_space<vmem>>) dst(%dma_wait3A_174 : memref<64x1024xf32, #tpu.memory_space<hbm>>)
    %dma_wait3A_179 = arith.constant 0 : i32
    %dma_wait3A_180 = arith.constant 0 : i32
    %dma_wait3A_181 = arith.constant 0 : i32
    %dma_wait3A_182 = tpu.memref_slice %arg4[%dma_wait3A_179, %dma_wait3A_180, %dma_wait3A_181] : memref<1x64x1024xf32, #tpu.memory_space<vmem>> -> memref<1x64x1024xf32, #tpu.memory_space<vmem>>
    %dma_wait3A_183 = tpu.memref_squeeze %dma_wait3A_182 : memref<1x64x1024xf32, #tpu.memory_space<vmem>> -> memref<64x1024xf32, #tpu.memory_space<vmem>>
    %dma_wait3A_184 = arith.constant 0 : i32
    %dma_wait3A_185 = tpu.memref_slice %arg3[%add3A_80, %dma_wait3A_184] : memref<16384x1024xf32, #tpu.memory_space<hbm>> -> memref<64x1024xf32, #tpu.memory_space<hbm>>
    %dma_wait3A_186 = arith.constant 0 : i32
    %dma_wait3A_187 = tpu.memref_slice %arg3[%add3A_80, %dma_wait3A_186] : memref<16384x1024xf32, #tpu.memory_space<hbm>> -> memref<64x1024xf32, #tpu.memory_space<hbm>>
    %dma_wait3A_188 = arith.constant 0 : i32
    %dma_wait3A_189 = arith.constant 0 : i32
    %dma_wait3A_190 = tpu.memref_slice %arg4[%dma_wait3A_179, %dma_wait3A_188, %dma_wait3A_189] : memref<1x64x1024xf32, #tpu.memory_space<vmem>> -> memref<1x64x1024xf32, #tpu.memory_space<vmem>>
    %dma_wait3A_191 = tpu.memref_squeeze %dma_wait3A_190 : memref<1x64x1024xf32, #tpu.memory_space<vmem>> -> memref<64x1024xf32, #tpu.memory_space<vmem>>
    tpu.wait_dma2 semaphore(%arg6 : memref<!tpu.dma_semaphore, #tpu.memory_space<semaphore_mem>>) src(%dma_wait3A_191 : memref<64x1024xf32, #tpu.memory_space<vmem>>) dst(%dma_wait3A_187 : memref<64x1024xf32, #tpu.memory_space<hbm>>)
    %dma_wait3A_192 = arith.constant 0 : i32
    %dma_wait3A_193 = arith.constant 0 : i32
    %dma_wait3A_194 = arith.constant 0 : i32
    %dma_wait3A_195 = tpu.memref_slice %arg4[%dma_wait3A_192, %dma_wait3A_193, %dma_wait3A_194] : memref<1x64x1024xf32, #tpu.memory_space<vmem>> -> memref<1x64x1024xf32, #tpu.memory_space<vmem>>
    %dma_wait3A_196 = tpu.memref_squeeze %dma_wait3A_195 : memref<1x64x1024xf32, #tpu.memory_space<vmem>> -> memref<64x1024xf32, #tpu.memory_space<vmem>>
    %dma_wait3A_197 = arith.constant 0 : i32
    %dma_wait3A_198 = tpu.memref_slice %arg3[%add3A_116, %dma_wait3A_197] : memref<16384x1024xf32, #tpu.memory_space<hbm>> -> memref<64x1024xf32, #tpu.memory_space<hbm>>
    %dma_wait3A_199 = arith.constant 0 : i32
    %dma_wait3A_200 = tpu.memref_slice %arg3[%add3A_116, %dma_wait3A_199] : memref<16384x1024xf32, #tpu.memory_space<hbm>> -> memref<64x1024xf32, #tpu.memory_space<hbm>>
    %dma_wait3A_201 = arith.constant 0 : i32
    %dma_wait3A_202 = arith.constant 0 : i32
    %dma_wait3A_203 = tpu.memref_slice %arg4[%dma_wait3A_192, %dma_wait3A_201, %dma_wait3A_202] : memref<1x64x1024xf32, #tpu.memory_space<vmem>> -> memref<1x64x1024xf32, #tpu.memory_space<vmem>>
    %dma_wait3A_204 = tpu.memref_squeeze %dma_wait3A_203 : memref<1x64x1024xf32, #tpu.memory_space<vmem>> -> memref<64x1024xf32, #tpu.memory_space<vmem>>
    tpu.wait_dma2 semaphore(%arg6 : memref<!tpu.dma_semaphore, #tpu.memory_space<semaphore_mem>>) src(%dma_wait3A_204 : memref<64x1024xf32, #tpu.memory_space<vmem>>) dst(%dma_wait3A_200 : memref<64x1024xf32, #tpu.memory_space<hbm>>)
    %dma_wait3A_205 = arith.constant 0 : i32
    %dma_wait3A_206 = arith.constant 0 : i32
    %dma_wait3A_207 = arith.constant 0 : i32
    %dma_wait3A_208 = tpu.memref_slice %arg4[%dma_wait3A_205, %dma_wait3A_206, %dma_wait3A_207] : memref<1x64x1024xf32, #tpu.memory_space<vmem>> -> memref<1x64x1024xf32, #tpu.memory_space<vmem>>
    %dma_wait3A_209 = tpu.memref_squeeze %dma_wait3A_208 : memref<1x64x1024xf32, #tpu.memory_space<vmem>> -> memref<64x1024xf32, #tpu.memory_space<vmem>>
    %dma_wait3A_210 = arith.constant 0 : i32
    %dma_wait3A_211 = tpu.memref_slice %arg3[%add3A_152, %dma_wait3A_210] : memref<16384x1024xf32, #tpu.memory_space<hbm>> -> memref<64x1024xf32, #tpu.memory_space<hbm>>
    %dma_wait3A_212 = arith.constant 0 : i32
    %dma_wait3A_213 = tpu.memref_slice %arg3[%add3A_152, %dma_wait3A_212] : memref<16384x1024xf32, #tpu.memory_space<hbm>> -> memref<64x1024xf32, #tpu.memory_space<hbm>>
    %dma_wait3A_214 = arith.constant 0 : i32
    %dma_wait3A_215 = arith.constant 0 : i32
    %dma_wait3A_216 = tpu.memref_slice %arg4[%dma_wait3A_205, %dma_wait3A_214, %dma_wait3A_215] : memref<1x64x1024xf32, #tpu.memory_space<vmem>> -> memref<1x64x1024xf32, #tpu.memory_space<vmem>>
    %dma_wait3A_217 = tpu.memref_squeeze %dma_wait3A_216 : memref<1x64x1024xf32, #tpu.memory_space<vmem>> -> memref<64x1024xf32, #tpu.memory_space<vmem>>
    tpu.wait_dma2 semaphore(%arg6 : memref<!tpu.dma_semaphore, #tpu.memory_space<semaphore_mem>>) src(%dma_wait3A_217 : memref<64x1024xf32, #tpu.memory_space<vmem>>) dst(%dma_wait3A_213 : memref<64x1024xf32, #tpu.memory_space<hbm>>)
    %add3A_218 = arith.constant 64 : i32
    %add3A_219 = arith.addi %mul3A_2, %add3A_218 : i32
    %dma_start3A_220 = arith.constant 0 : i32
    %dma_start3A_221 = arith.constant 0 : i32
    %dma_start3A_222 = arith.constant 0 : i32
    %dma_start3A_223 = tpu.memref_slice %arg4[%dma_start3A_220, %dma_start3A_221, %dma_start3A_222] : memref<1x64x1024xf32, #tpu.memory_space<vmem>> -> memref<1x64x1024xf32, #tpu.memory_space<vmem>>
    %dma_start3A_224 = tpu.memref_squeeze %dma_start3A_223 : memref<1x64x1024xf32, #tpu.memory_space<vmem>> -> memref<64x1024xf32, #tpu.memory_space<vmem>>
    %dma_start3A_225 = arith.constant 0 : i32
    %dma_start3A_226 = tpu.memref_slice %arg2[%add3A_219, %dma_start3A_225] : memref<4096x1024xf32, #tpu.memory_space<hbm>> -> memref<64x1024xf32, #tpu.memory_space<hbm>>
    %dma_start3A_227 = arith.constant 0 : i32
    %dma_start3A_228 = arith.constant 0 : i32
    %dma_start3A_229 = tpu.memref_slice %arg4[%dma_start3A_220, %dma_start3A_227, %dma_start3A_228] : memref<1x64x1024xf32, #tpu.memory_space<vmem>> -> memref<1x64x1024xf32, #tpu.memory_space<vmem>>
    %dma_start3A_230 = tpu.memref_squeeze %dma_start3A_229 : memref<1x64x1024xf32, #tpu.memory_space<vmem>> -> memref<64x1024xf32, #tpu.memory_space<vmem>>
    %dma_start3A_231 = arith.constant 0 : i32
    %dma_start3A_232 = tpu.memref_slice %arg2[%add3A_219, %dma_start3A_231] : memref<4096x1024xf32, #tpu.memory_space<hbm>> -> memref<64x1024xf32, #tpu.memory_space<hbm>>
    tpu.enqueue_dma source(%dma_start3A_232 : memref<64x1024xf32, #tpu.memory_space<hbm>>) target(%dma_start3A_230 : memref<64x1024xf32, #tpu.memory_space<vmem>>) target_semaphore(%arg5 : memref<!tpu.dma_semaphore, #tpu.memory_space<semaphore_mem>>)
    %dma_wait3A_233 = arith.constant 0 : i32
    %dma_wait3A_234 = arith.constant 0 : i32
    %dma_wait3A_235 = arith.constant 0 : i32
    %dma_wait3A_236 = tpu.memref_slice %arg4[%dma_wait3A_233, %dma_wait3A_234, %dma_wait3A_235] : memref<1x64x1024xf32, #tpu.memory_space<vmem>> -> memref<1x64x1024xf32, #tpu.memory_space<vmem>>
    %dma_wait3A_237 = tpu.memref_squeeze %dma_wait3A_236 : memref<1x64x1024xf32, #tpu.memory_space<vmem>> -> memref<64x1024xf32, #tpu.memory_space<vmem>>
    %dma_wait3A_238 = arith.constant 0 : i32
    %dma_wait3A_239 = tpu.memref_slice %arg2[%add3A_219, %dma_wait3A_238] : memref<4096x1024xf32, #tpu.memory_space<hbm>> -> memref<64x1024xf32, #tpu.memory_space<hbm>>
    %dma_wait3A_240 = arith.constant 0 : i32
    %dma_wait3A_241 = arith.constant 0 : i32
    %dma_wait3A_242 = tpu.memref_slice %arg4[%dma_wait3A_233, %dma_wait3A_240, %dma_wait3A_241] : memref<1x64x1024xf32, #tpu.memory_space<vmem>> -> memref<1x64x1024xf32, #tpu.memory_space<vmem>>
    %dma_wait3A_243 = tpu.memref_squeeze %dma_wait3A_242 : memref<1x64x1024xf32, #tpu.memory_space<vmem>> -> memref<64x1024xf32, #tpu.memory_space<vmem>>
    %dma_wait3A_244 = arith.constant 0 : i32
    %dma_wait3A_245 = tpu.memref_slice %arg2[%add3A_219, %dma_wait3A_244] : memref<4096x1024xf32, #tpu.memory_space<hbm>> -> memref<64x1024xf32, #tpu.memory_space<hbm>>
    tpu.wait_dma2 semaphore(%arg5 : memref<!tpu.dma_semaphore, #tpu.memory_space<semaphore_mem>>) src(%dma_wait3A_245 : memref<64x1024xf32, #tpu.memory_space<hbm>>) dst(%dma_wait3A_243 : memref<64x1024xf32, #tpu.memory_space<vmem>>)
    %add3A_246 = arith.constant 0 : i32
    %add3A_247 = arith.addi %add3A_246, %add3A : i32
    %jit3A_248 = arith.constant 4 : i32
    %eq3A_249 = arith.constant 0 : i32
    %eq3A_250 = arith.cmpi eq, %jit3A_248, %eq3A_249 : i32
    %jit3A_251 = arith.constant 1 : i32
    %select_n3A_252 = arith.select %eq3A_250, %jit3A_251, %jit3A_248 : i32
    %rem3A_253 = arith.remsi %add3A_247, %select_n3A_252 : i32
    %ne3A_254 = arith.constant 0 : i32
    %ne3A_255 = arith.cmpi ne, %rem3A_253, %ne3A_254 : i32
    %lt3A_256 = arith.constant 0 : i32
    %lt3A_257 = arith.cmpi slt, %rem3A_253, %lt3A_256 : i32
    %lt3A_258 = arith.constant 0 : i32
    %lt3A_259 = arith.cmpi slt, %select_n3A_252, %lt3A_258 : i32
    %ne3A_260 = arith.xori %lt3A_257, %lt3A_259 : i1
    %and3A_261 = arith.andi %ne3A_260, %ne3A_255 : i1
    %add3A_262 = arith.addi %rem3A_253, %select_n3A_252 : i32
    %select_n3A_263 = arith.select %and3A_261, %add3A_262, %rem3A_253 : i32
    %mul3A_264 = arith.constant 4096 : i32
    %mul3A_265 = arith.muli %select_n3A_263, %mul3A_264 : i32
    %add3A_266 = arith.addi %mul3A_265, %mul3A_2 : i32
    %add3A_267 = arith.constant 64 : i32
    %add3A_268 = arith.addi %add3A_266, %add3A_267 : i32
    %dma_start3A_269 = arith.constant 0 : i32
    %dma_start3A_270 = arith.constant 0 : i32
    %dma_start3A_271 = arith.constant 0 : i32
    %dma_start3A_272 = tpu.memref_slice %arg4[%dma_start3A_269, %dma_start3A_270, %dma_start3A_271] : memref<1x64x1024xf32, #tpu.memory_space<vmem>> -> memref<1x64x1024xf32, #tpu.memory_space<vmem>>
    %dma_start3A_273 = tpu.memref_squeeze %dma_start3A_272 : memref<1x64x1024xf32, #tpu.memory_space<vmem>> -> memref<64x1024xf32, #tpu.memory_space<vmem>>
    %dma_start3A_274 = arith.constant 0 : i32
    %dma_start3A_275 = tpu.memref_slice %arg3[%add3A_268, %dma_start3A_274] : memref<16384x1024xf32, #tpu.memory_space<hbm>> -> memref<64x1024xf32, #tpu.memory_space<hbm>>
    %dma_start3A_276 = arith.constant 0 : i32
    %dma_start3A_277 = tpu.memref_slice %arg3[%add3A_268, %dma_start3A_276] : memref<16384x1024xf32, #tpu.memory_space<hbm>> -> memref<64x1024xf32, #tpu.memory_space<hbm>>
    %dma_start3A_278 = arith.constant 0 : i32
    %dma_start3A_279 = arith.constant 0 : i32
    %dma_start3A_280 = tpu.memref_slice %arg4[%dma_start3A_269, %dma_start3A_278, %dma_start3A_279] : memref<1x64x1024xf32, #tpu.memory_space<vmem>> -> memref<1x64x1024xf32, #tpu.memory_space<vmem>>
    %dma_start3A_281 = tpu.memref_squeeze %dma_start3A_280 : memref<1x64x1024xf32, #tpu.memory_space<vmem>> -> memref<64x1024xf32, #tpu.memory_space<vmem>>
    tpu.enqueue_dma source(%dma_start3A_281 : memref<64x1024xf32, #tpu.memory_space<vmem>>) target(%dma_start3A_277 : memref<64x1024xf32, #tpu.memory_space<hbm>>) target_semaphore(%arg6 : memref<!tpu.dma_semaphore, #tpu.memory_space<semaphore_mem>>)
    %add3A_282 = arith.constant 1 : i32
    %add3A_283 = arith.addi %add3A_282, %add3A : i32
    %jit3A_284 = arith.constant 4 : i32
    %eq3A_285 = arith.constant 0 : i32
    %eq3A_286 = arith.cmpi eq, %jit3A_284, %eq3A_285 : i32
    %jit3A_287 = arith.constant 1 : i32
    %select_n3A_288 = arith.select %eq3A_286, %jit3A_287, %jit3A_284 : i32
    %rem3A_289 = arith.remsi %add3A_283, %select_n3A_288 : i32
    %ne3A_290 = arith.constant 0 : i32
    %ne3A_291 = arith.cmpi ne, %rem3A_289, %ne3A_290 : i32
    %lt3A_292 = arith.constant 0 : i32
    %lt3A_293 = arith.cmpi slt, %rem3A_289, %lt3A_292 : i32
    %lt3A_294 = arith.constant 0 : i32
    %lt3A_295 = arith.cmpi slt, %select_n3A_288, %lt3A_294 : i32
    %ne3A_296 = arith.xori %lt3A_293, %lt3A_295 : i1
    %and3A_297 = arith.andi %ne3A_296, %ne3A_291 : i1
    %add3A_298 = arith.addi %rem3A_289, %select_n3A_288 : i32
    %select_n3A_299 = arith.select %and3A_297, %add3A_298, %rem3A_289 : i32
    %mul3A_300 = arith.constant 4096 : i32
    %mul3A_301 = arith.muli %select_n3A_299, %mul3A_300 : i32
    %add3A_302 = arith.addi %mul3A_301, %mul3A_2 : i32
    %add3A_303 = arith.constant 64 : i32
    %add3A_304 = arith.addi %add3A_302, %add3A_303 : i32
    %dma_start3A_305 = arith.constant 0 : i32
    %dma_start3A_306 = arith.constant 0 : i32
    %dma_start3A_307 = arith.constant 0 : i32
    %dma_start3A_308 = tpu.memref_slice %arg4[%dma_start3A_305, %dma_start3A_306, %dma_start3A_307] : memref<1x64x1024xf32, #tpu.memory_space<vmem>> -> memref<1x64x1024xf32, #tpu.memory_space<vmem>>
    %dma_start3A_309 = tpu.memref_squeeze %dma_start3A_308 : memref<1x64x1024xf32, #tpu.memory_space<vmem>> -> memref<64x1024xf32, #tpu.memory_space<vmem>>
    %dma_start3A_310 = arith.constant 0 : i32
    %dma_start3A_311 = tpu.memref_slice %arg3[%add3A_304, %dma_start3A_310] : memref<16384x1024xf32, #tpu.memory_space<hbm>> -> memref<64x1024xf32, #tpu.memory_space<hbm>>
    %dma_start3A_312 = arith.constant 0 : i32
    %dma_start3A_313 = tpu.memref_slice %arg3[%add3A_304, %dma_start3A_312] : memref<16384x1024xf32, #tpu.memory_space<hbm>> -> memref<64x1024xf32, #tpu.memory_space<hbm>>
    %dma_start3A_314 = arith.constant 0 : i32
    %dma_start3A_315 = arith.constant 0 : i32
    %dma_start3A_316 = tpu.memref_slice %arg4[%dma_start3A_305, %dma_start3A_314, %dma_start3A_315] : memref<1x64x1024xf32, #tpu.memory_space<vmem>> -> memref<1x64x1024xf32, #tpu.memory_space<vmem>>
    %dma_start3A_317 = tpu.memref_squeeze %dma_start3A_316 : memref<1x64x1024xf32, #tpu.memory_space<vmem>> -> memref<64x1024xf32, #tpu.memory_space<vmem>>
    tpu.enqueue_dma source(%dma_start3A_317 : memref<64x1024xf32, #tpu.memory_space<vmem>>) target(%dma_start3A_313 : memref<64x1024xf32, #tpu.memory_space<hbm>>) target_semaphore(%arg6 : memref<!tpu.dma_semaphore, #tpu.memory_space<semaphore_mem>>)
    %add3A_318 = arith.constant 2 : i32
    %add3A_319 = arith.addi %add3A_318, %add3A : i32
    %jit3A_320 = arith.constant 4 : i32
    %eq3A_321 = arith.constant 0 : i32
    %eq3A_322 = arith.cmpi eq, %jit3A_320, %eq3A_321 : i32
    %jit3A_323 = arith.constant 1 : i32
    %select_n3A_324 = arith.select %eq3A_322, %jit3A_323, %jit3A_320 : i32
    %rem3A_325 = arith.remsi %add3A_319, %select_n3A_324 : i32
    %ne3A_326 = arith.constant 0 : i32
    %ne3A_327 = arith.cmpi ne, %rem3A_325, %ne3A_326 : i32
    %lt3A_328 = arith.constant 0 : i32
    %lt3A_329 = arith.cmpi slt, %rem3A_325, %lt3A_328 : i32
    %lt3A_330 = arith.constant 0 : i32
    %lt3A_331 = arith.cmpi slt, %select_n3A_324, %lt3A_330 : i32
    %ne3A_332 = arith.xori %lt3A_329, %lt3A_331 : i1
    %and3A_333 = arith.andi %ne3A_332, %ne3A_327 : i1
    %add3A_334 = arith.addi %rem3A_325, %select_n3A_324 : i32
    %select_n3A_335 = arith.select %and3A_333, %add3A_334, %rem3A_325 : i32
    %mul3A_336 = arith.constant 4096 : i32
    %mul3A_337 = arith.muli %select_n3A_335, %mul3A_336 : i32
    %add3A_338 = arith.addi %mul3A_337, %mul3A_2 : i32
    %add3A_339 = arith.constant 64 : i32
    %add3A_340 = arith.addi %add3A_338, %add3A_339 : i32
    %dma_start3A_341 = arith.constant 0 : i32
    %dma_start3A_342 = arith.constant 0 : i32
    %dma_start3A_343 = arith.constant 0 : i32
    %dma_start3A_344 = tpu.memref_slice %arg4[%dma_start3A_341, %dma_start3A_342, %dma_start3A_343] : memref<1x64x1024xf32, #tpu.memory_space<vmem>> -> memref<1x64x1024xf32, #tpu.memory_space<vmem>>
    %dma_start3A_345 = tpu.memref_squeeze %dma_start3A_344 : memref<1x64x1024xf32, #tpu.memory_space<vmem>> -> memref<64x1024xf32, #tpu.memory_space<vmem>>
    %dma_start3A_346 = arith.constant 0 : i32
    %dma_start3A_347 = tpu.memref_slice %arg3[%add3A_340, %dma_start3A_346] : memref<16384x1024xf32, #tpu.memory_space<hbm>> -> memref<64x1024xf32, #tpu.memory_space<hbm>>
    %dma_start3A_348 = arith.constant 0 : i32
    %dma_start3A_349 = tpu.memref_slice %arg3[%add3A_340, %dma_start3A_348] : memref<16384x1024xf32, #tpu.memory_space<hbm>> -> memref<64x1024xf32, #tpu.memory_space<hbm>>
    %dma_start3A_350 = arith.constant 0 : i32
    %dma_start3A_351 = arith.constant 0 : i32
    %dma_start3A_352 = tpu.memref_slice %arg4[%dma_start3A_341, %dma_start3A_350, %dma_start3A_351] : memref<1x64x1024xf32, #tpu.memory_space<vmem>> -> memref<1x64x1024xf32, #tpu.memory_space<vmem>>
    %dma_start3A_353 = tpu.memref_squeeze %dma_start3A_352 : memref<1x64x1024xf32, #tpu.memory_space<vmem>> -> memref<64x1024xf32, #tpu.memory_space<vmem>>
    tpu.enqueue_dma source(%dma_start3A_353 : memref<64x1024xf32, #tpu.memory_space<vmem>>) target(%dma_start3A_349 : memref<64x1024xf32, #tpu.memory_space<hbm>>) target_semaphore(%arg6 : memref<!tpu.dma_semaphore, #tpu.memory_space<semaphore_mem>>)
    %add3A_354 = arith.constant 3 : i32
    %add3A_355 = arith.addi %add3A_354, %add3A : i32
    %jit3A_356 = arith.constant 4 : i32
    %eq3A_357 = arith.constant 0 : i32
    %eq3A_358 = arith.cmpi eq, %jit3A_356, %eq3A_357 : i32
    %jit3A_359 = arith.constant 1 : i32
    %select_n3A_360 = arith.select %eq3A_358, %jit3A_359, %jit3A_356 : i32
    %rem3A_361 = arith.remsi %add3A_355, %select_n3A_360 : i32
    %ne3A_362 = arith.constant 0 : i32
    %ne3A_363 = arith.cmpi ne, %rem3A_361, %ne3A_362 : i32
    %lt3A_364 = arith.constant 0 : i32
    %lt3A_365 = arith.cmpi slt, %rem3A_361, %lt3A_364 : i32
    %lt3A_366 = arith.constant 0 : i32
    %lt3A_367 = arith.cmpi slt, %select_n3A_360, %lt3A_366 : i32
    %ne3A_368 = arith.xori %lt3A_365, %lt3A_367 : i1
    %and3A_369 = arith.andi %ne3A_368, %ne3A_363 : i1
    %add3A_370 = arith.addi %rem3A_361, %select_n3A_360 : i32
    %select_n3A_371 = arith.select %and3A_369, %add3A_370, %rem3A_361 : i32
    %mul3A_372 = arith.constant 4096 : i32
    %mul3A_373 = arith.muli %select_n3A_371, %mul3A_372 : i32
    %add3A_374 = arith.addi %mul3A_373, %mul3A_2 : i32
    %add3A_375 = arith.constant 64 : i32
    %add3A_376 = arith.addi %add3A_374, %add3A_375 : i32
    %dma_start3A_377 = arith.constant 0 : i32
    %dma_start3A_378 = arith.constant 0 : i32
    %dma_start3A_379 = arith.constant 0 : i32
    %dma_start3A_380 = tpu.memref_slice %arg4[%dma_start3A_377, %dma_start3A_378, %dma_start3A_379] : memref<1x64x1024xf32, #tpu.memory_space<vmem>> -> memref<1x64x1024xf32, #tpu.memory_space<vmem>>
    %dma_start3A_381 = tpu.memref_squeeze %dma_start3A_380 : memref<1x64x1024xf32, #tpu.memory_space<vmem>> -> memref<64x1024xf32, #tpu.memory_space<vmem>>
    %dma_start3A_382 = arith.constant 0 : i32
    %dma_start3A_383 = tpu.memref_slice %arg3[%add3A_376, %dma_start3A_382] : memref<16384x1024xf32, #tpu.memory_space<hbm>> -> memref<64x1024xf32, #tpu.memory_space<hbm>>
    %dma_start3A_384 = arith.constant 0 : i32
    %dma_start3A_385 = tpu.memref_slice %arg3[%add3A_376, %dma_start3A_384] : memref<16384x1024xf32, #tpu.memory_space<hbm>> -> memref<64x1024xf32, #tpu.memory_space<hbm>>
    %dma_start3A_386 = arith.constant 0 : i32
    %dma_start3A_387 = arith.constant 0 : i32
    %dma_start3A_388 = tpu.memref_slice %arg4[%dma_start3A_377, %dma_start3A_386, %dma_start3A_387] : memref<1x64x1024xf32, #tpu.memory_space<vmem>> -> memref<1x64x1024xf32, #tpu.memory_space<vmem>>
    %dma_start3A_389 = tpu.memref_squeeze %dma_start3A_388 : memref<1x64x1024xf32, #tpu.memory_space<vmem>> -> memref<64x1024xf32, #tpu.memory_space<vmem>>
    tpu.enqueue_dma source(%dma_start3A_389 : memref<64x1024xf32, #tpu.memory_space<vmem>>) target(%dma_start3A_385 : memref<64x1024xf32, #tpu.memory_space<hbm>>) target_semaphore(%arg6 : memref<!tpu.dma_semaphore, #tpu.memory_space<semaphore_mem>>)
    %dma_wait3A_390 = arith.constant 0 : i32
    %dma_wait3A_391 = arith.constant 0 : i32
    %dma_wait3A_392 = arith.constant 0 : i32
    %dma_wait3A_393 = tpu.memref_slice %arg4[%dma_wait3A_390, %dma_wait3A_391, %dma_wait3A_392] : memref<1x64x1024xf32, #tpu.memory_space<vmem>> -> memref<1x64x1024xf32, #tpu.memory_space<vmem>>
    %dma_wait3A_394 = tpu.memref_squeeze %dma_wait3A_393 : memref<1x64x1024xf32, #tpu.memory_space<vmem>> -> memref<64x1024xf32, #tpu.memory_space<vmem>>
    %dma_wait3A_395 = arith.constant 0 : i32
    %dma_wait3A_396 = tpu.memref_slice %arg3[%add3A_268, %dma_wait3A_395] : memref<16384x1024xf32, #tpu.memory_space<hbm>> -> memref<64x1024xf32, #tpu.memory_space<hbm>>
    %dma_wait3A_397 = arith.constant 0 : i32
    %dma_wait3A_398 = tpu.memref_slice %arg3[%add3A_268, %dma_wait3A_397] : memref<16384x1024xf32, #tpu.memory_space<hbm>> -> memref<64x1024xf32, #tpu.memory_space<hbm>>
    %dma_wait3A_399 = arith.constant 0 : i32
    %dma_wait3A_400 = arith.constant 0 : i32
    %dma_wait3A_401 = tpu.memref_slice %arg4[%dma_wait3A_390, %dma_wait3A_399, %dma_wait3A_400] : memref<1x64x1024xf32, #tpu.memory_space<vmem>> -> memref<1x64x1024xf32, #tpu.memory_space<vmem>>
    %dma_wait3A_402 = tpu.memref_squeeze %dma_wait3A_401 : memref<1x64x1024xf32, #tpu.memory_space<vmem>> -> memref<64x1024xf32, #tpu.memory_space<vmem>>
    tpu.wait_dma2 semaphore(%arg6 : memref<!tpu.dma_semaphore, #tpu.memory_space<semaphore_mem>>) src(%dma_wait3A_402 : memref<64x1024xf32, #tpu.memory_space<vmem>>) dst(%dma_wait3A_398 : memref<64x1024xf32, #tpu.memory_space<hbm>>)
    %dma_wait3A_403 = arith.constant 0 : i32
    %dma_wait3A_404 = arith.constant 0 : i32
    %dma_wait3A_405 = arith.constant 0 : i32
    %dma_wait3A_406 = tpu.memref_slice %arg4[%dma_wait3A_403, %dma_wait3A_404, %dma_wait3A_405] : memref<1x64x1024xf32, #tpu.memory_space<vmem>> -> memref<1x64x1024xf32, #tpu.memory_space<vmem>>
    %dma_wait3A_407 = tpu.memref_squeeze %dma_wait3A_406 : memref<1x64x1024xf32, #tpu.memory_space<vmem>> -> memref<64x1024xf32, #tpu.memory_space<vmem>>
    %dma_wait3A_408 = arith.constant 0 : i32
    %dma_wait3A_409 = tpu.memref_slice %arg3[%add3A_304, %dma_wait3A_408] : memref<16384x1024xf32, #tpu.memory_space<hbm>> -> memref<64x1024xf32, #tpu.memory_space<hbm>>
    %dma_wait3A_410 = arith.constant 0 : i32
    %dma_wait3A_411 = tpu.memref_slice %arg3[%add3A_304, %dma_wait3A_410] : memref<16384x1024xf32, #tpu.memory_space<hbm>> -> memref<64x1024xf32, #tpu.memory_space<hbm>>
    %dma_wait3A_412 = arith.constant 0 : i32
    %dma_wait3A_413 = arith.constant 0 : i32
    %dma_wait3A_414 = tpu.memref_slice %arg4[%dma_wait3A_403, %dma_wait3A_412, %dma_wait3A_413] : memref<1x64x1024xf32, #tpu.memory_space<vmem>> -> memref<1x64x1024xf32, #tpu.memory_space<vmem>>
    %dma_wait3A_415 = tpu.memref_squeeze %dma_wait3A_414 : memref<1x64x1024xf32, #tpu.memory_space<vmem>> -> memref<64x1024xf32, #tpu.memory_space<vmem>>
    tpu.wait_dma2 semaphore(%arg6 : memref<!tpu.dma_semaphore, #tpu.memory_space<semaphore_mem>>) src(%dma_wait3A_415 : memref<64x1024xf32, #tpu.memory_space<vmem>>) dst(%dma_wait3A_411 : memref<64x1024xf32, #tpu.memory_space<hbm>>)
    %dma_wait3A_416 = arith.constant 0 : i32
    %dma_wait3A_417 = arith.constant 0 : i32
    %dma_wait3A_418 = arith.constant 0 : i32
    %dma_wait3A_419 = tpu.memref_slice %arg4[%dma_wait3A_416, %dma_wait3A_417, %dma_wait3A_418] : memref<1x64x1024xf32, #tpu.memory_space<vmem>> -> memref<1x64x1024xf32, #tpu.memory_space<vmem>>
    %dma_wait3A_420 = tpu.memref_squeeze %dma_wait3A_419 : memref<1x64x1024xf32, #tpu.memory_space<vmem>> -> memref<64x1024xf32, #tpu.memory_space<vmem>>
    %dma_wait3A_421 = arith.constant 0 : i32
    %dma_wait3A_422 = tpu.memref_slice %arg3[%add3A_340, %dma_wait3A_421] : memref<16384x1024xf32, #tpu.memory_space<hbm>> -> memref<64x1024xf32, #tpu.memory_space<hbm>>
    %dma_wait3A_423 = arith.constant 0 : i32
    %dma_wait3A_424 = tpu.memref_slice %arg3[%add3A_340, %dma_wait3A_423] : memref<16384x1024xf32, #tpu.memory_space<hbm>> -> memref<64x1024xf32, #tpu.memory_space<hbm>>
    %dma_wait3A_425 = arith.constant 0 : i32
    %dma_wait3A_426 = arith.constant 0 : i32
    %dma_wait3A_427 = tpu.memref_slice %arg4[%dma_wait3A_416, %dma_wait3A_425, %dma_wait3A_426] : memref<1x64x1024xf32, #tpu.memory_space<vmem>> -> memref<1x64x1024xf32, #tpu.memory_space<vmem>>
    %dma_wait3A_428 = tpu.memref_squeeze %dma_wait3A_427 : memref<1x64x1024xf32, #tpu.memory_space<vmem>> -> memref<64x1024xf32, #tpu.memory_space<vmem>>
    tpu.wait_dma2 semaphore(%arg6 : memref<!tpu.dma_semaphore, #tpu.memory_space<semaphore_mem>>) src(%dma_wait3A_428 : memref<64x1024xf32, #tpu.memory_space<vmem>>) dst(%dma_wait3A_424 : memref<64x1024xf32, #tpu.memory_space<hbm>>)
    %dma_wait3A_429 = arith.constant 0 : i32
    %dma_wait3A_430 = arith.constant 0 : i32
    %dma_wait3A_431 = arith.constant 0 : i32
    %dma_wait3A_432 = tpu.memref_slice %arg4[%dma_wait3A_429, %dma_wait3A_430, %dma_wait3A_431] : memref<1x64x1024xf32, #tpu.memory_space<vmem>> -> memref<1x64x1024xf32, #tpu.memory_space<vmem>>
    %dma_wait3A_433 = tpu.memref_squeeze %dma_wait3A_432 : memref<1x64x1024xf32, #tpu.memory_space<vmem>> -> memref<64x1024xf32, #tpu.memory_space<vmem>>
    %dma_wait3A_434 = arith.constant 0 : i32
    %dma_wait3A_435 = tpu.memref_slice %arg3[%add3A_376, %dma_wait3A_434] : memref<16384x1024xf32, #tpu.memory_space<hbm>> -> memref<64x1024xf32, #tpu.memory_space<hbm>>
    %dma_wait3A_436 = arith.constant 0 : i32
    %dma_wait3A_437 = tpu.memref_slice %arg3[%add3A_376, %dma_wait3A_436] : memref<16384x1024xf32, #tpu.memory_space<hbm>> -> memref<64x1024xf32, #tpu.memory_space<hbm>>
    %dma_wait3A_438 = arith.constant 0 : i32
    %dma_wait3A_439 = arith.constant 0 : i32
    %dma_wait3A_440 = tpu.memref_slice %arg4[%dma_wait3A_429, %dma_wait3A_438, %dma_wait3A_439] : memref<1x64x1024xf32, #tpu.memory_space<vmem>> -> memref<1x64x1024xf32, #tpu.memory_space<vmem>>
    %dma_wait3A_441 = tpu.memref_squeeze %dma_wait3A_440 : memref<1x64x1024xf32, #tpu.memory_space<vmem>> -> memref<64x1024xf32, #tpu.memory_space<vmem>>
    tpu.wait_dma2 semaphore(%arg6 : memref<!tpu.dma_semaphore, #tpu.memory_space<semaphore_mem>>) src(%dma_wait3A_441 : memref<64x1024xf32, #tpu.memory_space<vmem>>) dst(%dma_wait3A_437 : memref<64x1024xf32, #tpu.memory_space<hbm>>)
    return
  }
}

</mosaic_0001>

<sc_bundles>
// kernel: kernel.3.cloned.1.call-start
scs
__scs_entry_jumppad:
0x0: {  	(pc) =	sbr.rel $0x88, $3  }
0x1: {  	(tag) =	ssettag $0x0;
	lr =	simm.s32 $0x1  }
0x2: {  	[smem:$0x3FA0] =	sst lr;
	_ =	strace $0xD0000000  }
0x3: {  	_ = 	snop  }
0x4: {  	_ = 	snop  }
0x5: {  	_ = 	snop  }
0x6: {  	_ = 	snop  }
0x7: {  	_ = 	snop  }
__scs_overlays_trampoline_lowered:
0x8: {  	[smem:$0x3FAF] =	sst s0  }
0x9: {  	[smem:$0x3FB0] =	sst s1  }
0xa: {  	[smem:$0x3FB1] =	sst s2  }
0xb: {  	[smem:$0x3FB2] =	sst s3  }
0xc: {  	[smem:$0x3FB3] =	sst s4  }
0xd: {  	[smem:$0x3FB4] =	sst s5  }
0xe: {  	[smem:$0x3FB5] =	sst s6  }
0xf: {  	[smem:$0x3FB6] =	sst s7  }
0x10: {  	[smem:$0x3FB7] =	sst s8  }
0x11: {  	[smem:$0x3FB8] =	sst s9;
	s0 =	simm.s32 @!p0 $0x0  }
0x12: {  	s1 =	sld [smem:$0x3F9E];
	s0 =	simm.s32 @p0 $0x1  }
0x13: {  	[smem:$0x3FB9] =	sst s0;
	s0 =	simm.s32 @!p1 $0x0  }
0x14: {  	s2 =	sld [smem:$0x3F9D];
	s0 =	simm.s32 @p1 $0x1  }
0x15: {  	[smem:$0x3FBA] =	sst s0;
	s0 =	simm.s32 @!p2 $0x0  }
0x16: {  	s3 =	sld [smem:$0x3FDB];
	s0 =	simm.s32 @p2 $0x1  }
0x17: {  	s4 =	simm.s32 $0x1BF5;
	[smem:$0x3FBC] =	sst s0  }
0x18: {  	s0 =	sld [smem:$0x3F9F];
	_ =	swait.ge [sflag:s4], $0x0  }
0x19: {  	s7 =	sld [smem:$0x3FA0]  }
0x1a: {  	s8 =	sadd.s32 $0xFFFFE003, lr  }
0x1b: {  	s9 =	sadd.s32 $0xFFFFFEF7, lr;
	s5 =	simm.s32 $0xFFFFFFFF;
	p2 =	slt.u32 s8, $0xFFFFF086  }
0x1c: {  	p1 =	slt.u32 s9, $0xF7A;
	s5 =	simm.s32 @!p2 $0x0  }
0x1d: {  	s5 =	simm.s32 @p1 $0x1;
	p0 =	seq.s32 s7, s2  }
0x1e: {  	s7 =	smul.u32 @!p0 $0xF7A, s2;
	p2 =	seq.s32 @!p0 s5, $0x0  }
0x1f: {  	s9 =	smul.u32 $0xF7A, s1;
	s8 =	simm.s32 @!p0 $0x1BF5;
	p2 =	por !p2, p0  }
0x20: {  	[sflag:s8] =	ssyncset.s32 @!p0 $0xFFFFF086;
	s6 =	sadd.s32 @!p0 s3, s7;
	s7 =	simm.s32 @!p0 $0x108  }
0x21: {  	s3 =	sadd.s32 s3, s9;
	s6 =	sadd.s32 @!p0 $0x88, s6;
	s7 =	simm.s32 @p2 $0x1082  }
0x22: {  	[simem:s7], [sflag:s8] =	dma.local @!p0 [hbm:s6], $0xF7A  }
0x23: {  	s9 =	sor.u32 $0xD0000000, s2;
	s6 =	simm.s32 $0x108;
	_ =	swait.ge @!p0 [sflag:s8], $0x0  }
0x24: {  	s3 =	sadd.s32 $0x88, s3;
	s6 =	simm.s32 @!p1 $0x1082;
	[sflag:s4] =	ssyncset.s32 $0xFFFFF086  }
0x25: {  	[simem:s6], [sflag:s4] =	dma.local [hbm:s3], $0xF7A  }
0x26: {  	[smem:$0x3FA0] =	sst s1;
	(tag) =	ssettag s2;
	_ =	strace s9  }
0x27: {  	s1 =	sld [smem:$0x3FB0]  }
0x28: {  	s2 =	sld [smem:$0x3FB1]  }
0x29: {  	s4 =	sld [smem:$0x3FB3]  }
0x2a: {  	p0 =	seq.s32 s5, $0x0;
	s5 =	sld [smem:$0x3FB4]  }
0x2b: {  	s6 =	sld [smem:$0x3FB5]  }
0x2c: {  	s7 =	sld [smem:$0x3FB6]  }
0x2d: {  	s3 =	simm.s32 $0x108;
	s8 =	sld [smem:$0x3FB7]  }
0x2e: {  	s3 =	simm.s32 @!p0 $0x1082;
	s9 =	sld [smem:$0x3FB8]  }
0x2f: {  	lr =	sadd.s32 s0, s3;
	s0 =	sld [smem:$0x3FAF]  }
0x30: {  	s3 =	sld [smem:$0x3FB2]  }
0x31: {  	[smem:$0x3FBB] =	sst s10  }
0x32: {  	s10 =	sld [smem:$0x3FB9];
	_ =	sdelay $0x3  }
0x33: {  	p0 =	seq.s32 s10, $0x1;
	s10 =	sld [smem:$0x3FBB];
	_ =	sdelay $0x3  }
0x34: {  	[smem:$0x3FBB] =	sst s10  }
0x35: {  	s10 =	sld [smem:$0x3FBA];
	_ =	sdelay $0x3  }
0x36: {  	p1 =	seq.s32 s10, $0x1;
	s10 =	sld [smem:$0x3FBB];
	_ =	sdelay $0x3  }
0x37: {  	[smem:$0x3FBB] =	sst s10  }
0x38: {  	s10 =	sld [smem:$0x3FBC]  }
0x39: {  	_ = 	snop;
	(pc) =	sbr.ind lr, $3  }
0x3a: {  	_ = 	snop  }
0x3b: {  	_ = 	snop  }
0x3c: {  	p2 =	seq.s32 s10, $0x1;
	s10 =	sld [smem:$0x3FBB]  }
0x3d: {  	_ =	shalt  }
0x3e: {  	_ =	shalt  }
0x3f: {  	_ =	shalt  }
0x40: {  	_ =	shalt  }
0x41: {  	_ =	shalt  }
0x42: {  	_ =	shalt  }
0x43: {  	_ =	shalt  }
0x44: {  	_ =	shalt  }
0x45: {  	_ =	shalt  }
0x46: {  	_ =	shalt  }
0x47: {  	_ =	shalt  }
0x48: {  	_ =	shalt  }
0x49: {  	_ =	shalt  }
0x4a: {  	_ =	shalt  }
0x4b: {  	_ =	shalt  }
0x4c: {  	_ =	shalt  }
0x4d: {  	_ =	shalt  }
0x4e: {  	_ =	shalt  }
0x4f: {  	_ =	shalt  }
0x50: {  	_ =	shalt  }
0x51: {  	_ =	shalt  }
0x52: {  	_ =	shalt  }
0x53: {  	_ =	shalt  }
0x54: {  	_ =	shalt  }
0x55: {  	_ =	shalt  }
0x56: {  	_ =	shalt  }
0x57: {  	_ =	shalt  }
0x58: {  	_ =	shalt  }
0x59: {  	_ =	shalt  }
0x5a: {  	_ =	shalt  }
0x5b: {  	_ =	shalt  }
0x5c: {  	_ =	shalt  }
0x5d: {  	_ =	shalt  }
0x5e: {  	_ =	shalt  }
0x5f: {  	_ =	shalt  }
0x60: {  	_ =	shalt  }
0x61: {  	_ =	shalt  }
0x62: {  	_ =	shalt  }
0x63: {  	_ =	shalt  }
0x64: {  	_ =	shalt  }
0x65: {  	_ =	shalt  }
0x66: {  	_ =	shalt  }
0x67: {  	_ =	shalt  }
0x68: {  	_ =	shalt  }
0x69: {  	_ =	shalt  }
0x6a: {  	_ =	shalt  }
0x6b: {  	_ =	shalt  }
0x6c: {  	_ =	shalt  }
0x6d: {  	_ =	shalt  }
0x6e: {  	_ =	shalt  }
0x6f: {  	_ =	shalt  }
0x70: {  	_ =	shalt  }
0x71: {  	_ =	shalt  }
0x72: {  	_ =	shalt  }
0x73: {  	_ =	shalt  }
0x74: {  	_ =	shalt  }
0x75: {  	_ =	shalt  }
0x76: {  	_ =	shalt  }
0x77: {  	_ =	shalt  }
0x78: {  	_ =	shalt  }
0x79: {  	_ =	shalt  }
0x7a: {  	_ =	shalt  }
0x7b: {  	_ =	shalt  }
0x7c: {  	_ =	shalt  }
0x7d: {  	_ =	shalt  }
0x7e: {  	_ =	shalt  }
0x7f: {  	_ =	shalt  }
0x80: {  	_ =	shalt  }
0x81: {  	_ =	shalt  }
0x82: {  	_ =	shalt  }
0x83: {  	_ =	shalt  }
0x84: {  	_ =	shalt  }
0x85: {  	_ =	shalt  }
0x86: {  	_ =	shalt  }
0x87: {  	_ =	shalt  }
.Lfunc_end0:
.L_simem_size_0:
called_computation_lowered:
.L_overlay_start_0:
0x88: {  	s2 =	sld [smem:$0x3FD9]  }
0x89: {  	s3 =	sld [smem:$0x3FFE];
	_ =	sdelay $0x1  }
0x8a: {  	s1 =	srdreg.scid  }
0x8b: {  	s0 =	sand.u32 $0x1, s1  }
0x8c: {  	s18 =	sshll.u32 s0, $0xA;
	s2 =	sadd.s32 s3, s2  }
0x8d: {  	s2 =	sadd.s32 s2, s18  }
0x8e: {  	[smem:$0x3FC7] =	sst s2  }
0x8f: {  	_ = 	snop  }
0x90: {  	s2 =	sld [smem:$0x3FC9]  }
0x91: {  	s19 =	sld [smem:$0x3FD0];
	(tm) =	ssettm $0x1  }
0x92: {  	s4 =	sld [smem:$0x3FFB];
	_ =	sdelay $0x3  }
0x93: {  	_ =	strace s4  }
0x94: {  	s4 =	sld [smem:$0x3FFC];
	_ =	sdelay $0x3  }
0x95: {  	_ =	strace s4  }
0x96: {  	s4 =	sld [smem:$0x3FFD];
	_ =	sdelay $0x3  }
0x97: {  	_ =	strace s4  }
0x98: {  	_ =	strace $0x8FFFFFFF  }
0x99: {  	s20 =	sld [smem:$0x3FDB];
	_ =	sdelay $0x1  }
0x9a: {  	s5 =	simm.s32 $_scs_section_size  }
0x9b: {  	s6 =	simm.s32 $_size__tile_overlayer_lowered;
	s7 =	simm.s32 $_tile_overlayer_lowered  }
0x9c: {  	s23 =	simm.s32 $0x1BFF;
	s22 =	sshll.u32 s7, $0x1;
	s4 =	sadd.s32 s5, s20  }
0x9d: {  	s8 =	simm.s32 $0x0;
	s21 =	sshll.u32 s6, $0x1;
	s6 =	sadd.s32 s22, s4  }
0x9e: {  	[timem:s8], [sflag:s23] =	dma.local [hbm:s6], s21  }
0x9f: {  	_ =	swait.ge [sflag:s23], s21  }
0xa0: {  	s5 =	ssub.s32 $0x0, s21;
	[sflag:s23] =	ssyncset.done $0x0  }
0xa1: {  	[sflag:s23] =	ssyncadd.s32 s5;
	_ =	sdelay $0x1  }
0xa2: {  	s24 =	simm.s32 $0x1B8B  }
0xa3: {  	_ =	swait.ge [sflag:s24], $0x1  }
0xa4: {  	[sflag:s24] =	ssyncset.done $0x0  }
0xa5: {  	s25 =	simm.s32 $0x1B8E;
	[sflag:s24] =	ssyncadd.s32 $0xFFFFFFFF  }
0xa6: {  	s26 =	simm.s32 $execute0_lowered;
	[smem:$0x3FD2] =	sst s25  }
0xa7: {  	s5 =	sshll.u32 s26, $0x1;
	_ =	strace $0x80000046;
	[dreg:$0x1] =	wrdreg $0xFFFFFFFF  }
0xa8: {  	s28 =	simm.s32 $_size_execute0_lowered;
	s4 =	sadd.s32 s4, s5;
	[dreg:$0x0] =	wrdreg $0x0  }
0xa9: {  	s5 =	sshll.u32 s28, $0x1;
	[dreg:$0x2] =	wrdreg s4  }
0xaa: {  	[dreg:$0x3] =	wrdreg s5  }
0xab: {  	[dreg:$0x4] =	wrdreg $0xC0  }
0xac: {  	_ =	task [dreg:s8], $0x5FFFF  }
0xad: {  	[dreg:$0x1] =	wrdreg $0xFFFFFFFF  }
0xae: {  	[dreg:$0x0] =	wrdreg $0x60  }
0xaf: {  	[dreg:$0x2] =	wrdreg s2  }
0xb0: {  	[dreg:$0x3] =	wrdreg s19  }
0xb1: {  	[dreg:$0x4] =	wrdreg $0x9  }
0xb2: {  	_ =	task.clear_ibuf [dreg:s8], $0x5FFFF;
	_ =	strace $0x90000046  }
0xb3: {  	s29 =	simm.s32 $0x9;
	_ =	strace $0x80000048  }
0xb4: {  	_ =	swait.ge [sflag:s29], $0x1  }
0xb5: {  	[sflag:s29] =	ssyncadd.s32 $0xFFFFFFFF  }
0xb6: {  	_ =	strace $0x90000048  }
0xb7: {  	_ =	sfence  }
0xb8: {  	s30 =	sld [smem:$0x0];
	_ =	sdelay $0x2  }
0xb9: {  	s31 =	sshll.u32 s1, $0xD;
	s1 =	sshrl.u32 s1, $0x2  }
0xba: {  	s3 =	sand.u32 $0x4000, s31;
	s1 =	sadd.s32 s1, s30  }
0xbb: {  	s0 =	sor.u32 s3, s0;
	s1 =	sshll.u32 s1, $0x11  }
0xbc: {  	s0 =	sor.u32 s1, s0  }
0xbd: {  	s0 =	sadd.s32 $0x8F2B, s0  }
0xbe: {  	[sflag:s0] =	ssyncadd.remote.s32 $0x1  }
0xbf: {  	_ =	sfence.sel $0xFFFF  }
0xc0: {  	[dreg:$0x0] =	wrdreg $0xFFFFFFFF;
	(pc) =	sbr.abs _section_cstart, $3  }
0xc1: {  	[dreg:$0x1] =	wrdreg $0xFFFFFFFF  }
0xc2: {  	_ =	task.clear_ibuf [dreg:s8], $0x2FFFF;
	_ =	strace $0x9FFFFFFF  }
0xc3: {  	(tm) =	ssettm $0x7FFFFFFF  }
tec
execute0_lowered:
.L_overlay_start_1:
0x0: {  	(tag) =	ssettag $0x1  }
0x1: {  	s3 =	rddreg [dreg:$0x0];
	s1 =	srdreg.scid  }
0x2: {  	s0 =	stileid.u32;
	s11 =	rddreg [dreg:$0x1];
	s2 =	simm.s32 $0x0  }
0x3: {  	s15 =	sand.u32 $0x1, s1;
	s4 =	sshll.u32 s0, $0x1;
	[smem:$0x7FF] =	sst s2  }
0x4: {  	s1 =	rddreg [dreg:$0x2];
	s4 =	sor.u32 s15, s4;
	_ =	strace $0x80000047  }
0x5: {  	s6 =	sshll.u32 s4, $0xC;
	s7 =	sshll.u32 s4, $0x7;
	s4 =	sshll.u32 s4, $0xE  }
0x6: {  	s5 =	sand.u32 $0x3000, s6;
	s3 =	sadd.s32 s3, s4;
	s8 =	sadd.s32 $0x1000, s6  }
0x7: {  	s4 =	simm.s32 $0x1;
	s6 =	sadd.s32 $0x3000, s6;
	s28 =	sor.u32 s7, s5  }
0x8: {  	[tilespmem:s2], [sflag:$0x1] =	stream.linear.gather [hbm4b:s3+s2], $0x10000, $0x38;
	[tilespmem:$0x10000] =	vst v63  }
0x9: {  	s8 =	sand.u32 $0x3000, s8;
	s29 =	sand.u32 $0x3000, s6;
	_ =	swait.ge [sflag:s4], $0x10000  }
0xa: {  	s12 =	sshll.u32 s28, $0x7;
	s8 =	sor.u32 s7, s8;
	[sflag:s4] =	ssyncset.done $0x0  }
0xb: {  	s5 =	sadd.s32 s11, s12;
	s13 =	sshll.u32 s8, $0x7;
	[sflag:s4] =	ssyncadd.s32 $0xFFFF0000  }
0xc: {  	[hbm4b:s5+s2] =	stream.linear.scatter [tilespmem:s2], [sflag:$0x2], $0x10000, $0x38;
	[tilespmem:$0x10000] =	vst v63  }
0xd: {  	s14 =	sxor.u32 $0x100000, s12;
	s8 =	sor.u32 s7, s29;
	s6 =	sadd.s32 s11, s13  }
0xe: {  	[hbm4b:s6+s2] =	stream.linear.scatter [tilespmem:s2], [sflag:$0x2], $0x10000, $0x38;
	[tilespmem:$0x10000] =	vst v63  }
0xf: {  	s7 =	sadd.s32 s11, s14;
	s16 =	sshll.u32 s8, $0x7  }
0x10: {  	[hbm4b:s7+s2] =	stream.linear.scatter [tilespmem:s2], [sflag:$0x2], $0x10000, $0x38;
	[tilespmem:$0x10000] =	vst v63  }
0x11: {  	s8 =	simm.s32 $0x2;
	s9 =	sadd.s32 s11, s16  }
0x12: {  	[hbm4b:s9+s2] =	stream.linear.scatter [tilespmem:s2], [sflag:$0x2], $0x10000, $0x38;
	[tilespmem:$0x10000] =	vst v63  }
0x13: {  	_ =	swait.ge [sflag:s8], $0x10000  }
0x14: {  	[sflag:s8] =	ssyncset.done $0x0  }
0x15: {  	[sflag:s8] =	ssyncadd.s32 $0xFFFF0000  }
0x16: {  	_ =	swait.ge [sflag:s8], $0x10000  }
0x17: {  	[sflag:s8] =	ssyncset.done $0x0  }
0x18: {  	[sflag:s8] =	ssyncadd.s32 $0xFFFF0000  }
0x19: {  	_ =	swait.ge [sflag:s8], $0x10000  }
0x1a: {  	[sflag:s8] =	ssyncset.done $0x0  }
0x1b: {  	[sflag:s8] =	ssyncadd.s32 $0xFFFF0000  }
0x1c: {  	_ =	swait.ge [sflag:s8], $0x10000  }
0x1d: {  	[sflag:s8] =	ssyncset.done $0x0  }
0x1e: {  	s10 =	sadd.s32 $0x2000, s3;
	[sflag:s8] =	ssyncadd.s32 $0xFFFF0000  }
0x1f: {  	[tilespmem:s2], [sflag:$0x1] =	stream.linear.gather [hbm4b:s10+s2], $0x10000, $0x38;
	[tilespmem:$0x10000] =	vst v63  }
0x20: {  	_ =	swait.ge [sflag:s4], $0x10000  }
0x21: {  	s17 =	sadd.s32 $0x2000, s11;
	[sflag:s4] =	ssyncset.done $0x0  }
0x22: {  	s11 =	sadd.s32 s12, s17;
	[sflag:s4] =	ssyncadd.s32 $0xFFFF0000  }
0x23: {  	[hbm4b:s11+s2] =	stream.linear.scatter [tilespmem:s2], [sflag:$0x2], $0x10000, $0x38;
	[tilespmem:$0x10000] =	vst v63  }
0x24: {  	s30 =	sand.u32 $0x1FFFC000, s14;
	s12 =	sadd.s32 s13, s17  }
0x25: {  	[hbm4b:s12+s2] =	stream.linear.scatter [tilespmem:s2], [sflag:$0x2], $0x10000, $0x38;
	[tilespmem:$0x10000] =	vst v63  }
0x26: {  	s13 =	sadd.s32 s30, s17  }
0x27: {  	[hbm4b:s13+s2] =	stream.linear.scatter [tilespmem:s2], [sflag:$0x2], $0x10000, $0x38;
	[tilespmem:$0x10000] =	vst v63  }
0x28: {  	s14 =	sadd.s32 s16, s17  }
0x29: {  	[hbm4b:s14+s2] =	stream.linear.scatter [tilespmem:s2], [sflag:$0x2], $0x10000, $0x38;
	[tilespmem:$0x10000] =	vst v63  }
0x2a: {  	_ =	swait.ge [sflag:s8], $0x10000  }
0x2b: {  	s15 =	ssub.s32 $0x2, s15;
	[sflag:s8] =	ssyncset.done $0x0  }
0x2c: {  	s31 =	sshrl.u32 s15, $0x1;
	[sflag:s8] =	ssyncadd.s32 $0xFFFF0000  }
0x2d: {  	s15 =	ssub.s32 s15, s31;
	_ =	swait.ge [sflag:s8], $0x10000  }
0x2e: {  	s15 =	smax.u32 s15, $0x1;
	[sflag:s8] =	ssyncset.done $0x0  }
0x2f: {  	p0 =	sne.s32 s15, $0x1;
	[sflag:s8] =	ssyncadd.s32 $0xFFFF0000  }
.Ltmp0:
0x30: {  	_ =	swait.ge [sflag:s8], $0x10000;
	(pc) =	sbr.rel @!p0 .LBB2_2-.Ltmp0, $4  }
0x31: {  	[sflag:s8] =	ssyncset.done $0x0  }
0x32: {  	[sflag:s8] =	ssyncadd.s32 $0xFFFF0000  }
0x33: {  	_ =	swait.ge [sflag:s8], $0x10000  }
0x34: {  	s15 =	sadd.s32 $0xFFFFFFFF, s15;
	[sflag:s8] =	ssyncset.done $0x0  }
.LBB2_1:
0x35: {  	p0 =	sne.s32 s15, $0x1;
	s15 =	sadd.s32 $0xFFFFFFFF, s15;
	[sflag:s8] =	ssyncadd.s32 $0xFFFF0000  }
0x36: {  	[tilespmem:s2], [sflag:$0x1] =	stream.linear.gather [hbm4b:s3+s2], $0x10000, $0x38;
	[tilespmem:$0x10000] =	vst v63  }
0x37: {  	_ =	swait.ge [sflag:s4], $0x10000  }
0x38: {  	[sflag:s4] =	ssyncset.done $0x0  }
0x39: {  	[sflag:s4] =	ssyncadd.s32 $0xFFFF0000  }
0x3a: {  	[hbm4b:s5+s2] =	stream.linear.scatter [tilespmem:s2], [sflag:$0x2], $0x10000, $0x38;
	[tilespmem:$0x10000] =	vst v63  }
0x3b: {  	_ = 	snop  }
0x3c: {  	[hbm4b:s6+s2] =	stream.linear.scatter [tilespmem:s2], [sflag:$0x2], $0x10000, $0x38;
	[tilespmem:$0x10000] =	vst v63  }
0x3d: {  	_ = 	snop  }
0x3e: {  	[hbm4b:s7+s2] =	stream.linear.scatter [tilespmem:s2], [sflag:$0x2], $0x10000, $0x38;
	[tilespmem:$0x10000] =	vst v63  }
0x3f: {  	_ = 	snop  }
0x40: {  	[hbm4b:s9+s2] =	stream.linear.scatter [tilespmem:s2], [sflag:$0x2], $0x10000, $0x38;
	[tilespmem:$0x10000] =	vst v63  }
0x41: {  	_ =	swait.ge [sflag:s8], $0x10000  }
0x42: {  	[sflag:s8] =	ssyncset.done $0x0  }
0x43: {  	[sflag:s8] =	ssyncadd.s32 $0xFFFF0000  }
0x44: {  	_ =	swait.ge [sflag:s8], $0x10000  }
0x45: {  	[sflag:s8] =	ssyncset.done $0x0  }
0x46: {  	[sflag:s8] =	ssyncadd.s32 $0xFFFF0000  }
0x47: {  	_ =	swait.ge [sflag:s8], $0x10000  }
0x48: {  	[sflag:s8] =	ssyncset.done $0x0  }
0x49: {  	[sflag:s8] =	ssyncadd.s32 $0xFFFF0000  }
0x4a: {  	_ =	swait.ge [sflag:s8], $0x10000  }
0x4b: {  	[sflag:s8] =	ssyncset.done $0x0  }
0x4c: {  	[sflag:s8] =	ssyncadd.s32 $0xFFFF0000  }
0x4d: {  	[tilespmem:s2], [sflag:$0x1] =	stream.linear.gather [hbm4b:s10+s2], $0x10000, $0x38;
	[tilespmem:$0x10000] =	vst v63  }
0x4e: {  	_ =	swait.ge [sflag:s4], $0x10000  }
0x4f: {  	[sflag:s4] =	ssyncset.done $0x0  }
0x50: {  	[sflag:s4] =	ssyncadd.s32 $0xFFFF0000  }
0x51: {  	[hbm4b:s11+s2] =	stream.linear.scatter [tilespmem:s2], [sflag:$0x2], $0x10000, $0x38;
	[tilespmem:$0x10000] =	vst v63  }
0x52: {  	_ = 	snop  }
0x53: {  	[hbm4b:s12+s2] =	stream.linear.scatter [tilespmem:s2], [sflag:$0x2], $0x10000, $0x38;
	[tilespmem:$0x10000] =	vst v63  }
0x54: {  	_ = 	snop  }
0x55: {  	[hbm4b:s13+s2] =	stream.linear.scatter [tilespmem:s2], [sflag:$0x2], $0x10000, $0x38;
	[tilespmem:$0x10000] =	vst v63  }
0x56: {  	_ = 	snop  }
0x57: {  	[hbm4b:s14+s2] =	stream.linear.scatter [tilespmem:s2], [sflag:$0x2], $0x10000, $0x38;
	[tilespmem:$0x10000] =	vst v63  }
0x58: {  	_ =	swait.ge [sflag:s8], $0x10000  }
0x59: {  	[sflag:s8] =	ssyncset.done $0x0  }
0x5a: {  	[sflag:s8] =	ssyncadd.s32 $0xFFFF0000  }
0x5b: {  	_ =	swait.ge [sflag:s8], $0x10000  }
0x5c: {  	[sflag:s8] =	ssyncset.done $0x0  }
0x5d: {  	[sflag:s8] =	ssyncadd.s32 $0xFFFF0000  }
.Ltmp1:
0x5e: {  	_ =	swait.ge [sflag:s8], $0x10000;
	(pc) =	sbr.rel @p0 .LBB2_1-.Ltmp1, $4  }
0x5f: {  	[sflag:s8] =	ssyncset.done $0x0  }
0x60: {  	[sflag:s8] =	ssyncadd.s32 $0xFFFF0000  }
0x61: {  	_ =	swait.ge [sflag:s8], $0x10000  }
0x62: {  	[sflag:s8] =	ssyncset.done $0x0  }
.LBB2_2:
0x63: {  	[sflag:s8] =	ssyncadd.s32 $0xFFFF0000  }
0x64: {  	_ =	sfence.sel $0x180000  }
0x65: {  	[bflag:$0x0] =	sbarrier.arrive $0xFFFF  }
0x66: {  	p0 =	sne.s32 s0, $0x0;
	_ =	strace $0x90000047  }
0x67: {  	s0 =	sadd.s32 @!p0 $0x100000, s1;
	[bflag:$0x2] =	sbarrier.arrive $0xFFFF  }
0x68: {  	[sflag:s0] =	ssyncadd.tile.s32 @!p0 $0x1;
	_ =	shalt  }
.Lfunc_end2:
_tile_overlayer_lowered:
.L_overlay_start_2:
0x69: {  	(tag) =	ssettag $0x2  }
0x6a: {  	s0 =	rddreg [dreg:$0x0];
	s2 =	stileid.u32  }
0x6b: {  	s1 =	rddreg [dreg:$0x1];
	p0 =	sne.s32 s2, $0x0  }
0x6c: {  	s3 =	rddreg [dreg:$0x2];
	[bflag:$0x3] =	sbarrier.arrive $0xFFFF;
	s2 =	simm.s32 @!p0 $0x1C03  }
0x6d: {  	[timem:s3], [sflag:s2] =	dma.local @!p0 [hbm:s0], s1  }
0x6e: {  	s0 =	simm.s32 @!p0 $0x3  }
0x6f: {  	_ =	swait.ge @!p0 [sflag:s0], s1  }
0x70: {  	s1 =	ssub.s32 @!p0 $0x0, s1;
	[sflag:s0] =	ssyncset.done @!p0 $0x0  }
0x71: {  	[sflag:s0] =	ssyncadd.s32 @!p0 s1  }
0x72: {  	[bflag:$0x3] =	sbarrier.arrive $0xFFFF  }
0x73: {  	_ =	shalt  }

</sc_bundles>
